<compile_context>
chip_gen: v7x
topology: tpu7x:2x2x1
jax: 0.10.2.dev20260603
libtpu: 0.0.44.dev20260713+nightly
codegen_flags: <defaults>
</compile_context>

<pallas_src>
import functools

import jax
import jax.numpy as jnp
from jax import lax
from jax.experimental import pallas as pl
from jax.experimental.pallas import tpu as pltpu
from jax.experimental.pallas import tpu_sc as plsc

START_MIN, START_MAX = 1, 2
END_MIN, END_MAX = 3, 4
N_SEG = 16
LANES = 16




def _sc_gather_kernel(x2d, ids, out01, ids_v, idx_v, rows_v, tmp_v, sem,
                      *, b_total, s_len, d):
    wid = lax.axis_index("s")
    b = wid % b_total
    which = wid // b_total

    @pl.when(which < 2)
    def _():
        pltpu.sync_copy(ids.at[b], ids_v)
        lo = jnp.where(which == 0, START_MIN, END_MIN)
        hi = jnp.where(which == 0, START_MAX, END_MAX)
        lane = lax.iota(jnp.int32, LANES)

        def body(ci, cnt):
            v = ids_v[pl.ds(ci * LANES, LANES)]
            m = (v >= lo) & (v <= hi)

            def matched(cnt):
                cur = jnp.where(m, 1, 0)
                for sh in (1, 2, 4, 8):
                    tmp_v[...] = cur
                    g = plsc.load_gather(tmp_v, [jnp.maximum(lane - sh, 0)])
                    cur = cur + jnp.where(lane >= sh, g, 0)
                ranks = jnp.clip(cnt + cur - 1, 0, N_SEG - 1)
                pos = b * s_len + ci * LANES + lane
                plsc.store_scatter(idx_v, [ranks], pos, mask=m)
                return cnt + plsc.all_reduce_population_count(m)

            return lax.cond(jnp.any(m), matched, lambda c: c, cnt)

        lax.fori_loop(0, s_len // LANES, body,
                      jnp.zeros((LANES,), jnp.int32))
        pltpu.async_copy(x2d.at[idx_v], rows_v, sem).wait()

        @pl.when(which == 0)
        def _():
            pltpu.sync_copy(rows_v, out01.at[b, :, pl.ds(0, d)])

        @pl.when(which == 1)
        def _():
            pltpu.sync_copy(rows_v, out01.at[b, :, pl.ds(d, d)])


def _sc_gather(x, input_ids):
    b, s, d = x.shape
    x2d = x.reshape(b * s, d)
    mesh = plsc.VectorSubcoreMesh(
        core_axis_name="c", subcore_axis_name="s", num_cores=1)
    kern = functools.partial(
        pl.kernel,
        out_type=jax.ShapeDtypeStruct((b, N_SEG, 2 * d), jnp.float32),
        mesh=mesh,
        scratch_types=[
            pltpu.VMEM((s,), jnp.int32),
            pltpu.VMEM((N_SEG,), jnp.int32),
            pltpu.VMEM((N_SEG, d), jnp.float32),
            pltpu.VMEM((LANES,), jnp.int32),
            pltpu.SemaphoreType.DMA,
        ],
        compiler_params=pltpu.CompilerParams(
            needs_layout_passes=False, skip_device_barrier=True),
        cost_estimate=pl.CostEstimate(
            flops=0,
            bytes_accessed=2 * b * N_SEG * d * 4 + b * s * 4,
            transcendentals=0,
        ),
    )(functools.partial(_sc_gather_kernel, b_total=b, s_len=s, d=d))
    return kern(x2d, input_ids)




def _incl_cumsum_lanes(a):
    s = a.shape[1]
    sh = 1
    while sh < s:
        shifted = jnp.concatenate(
            [jnp.zeros((1, sh), a.dtype), a[:, : s - sh]], axis=1)
        a = a + shifted
        sh *= 2
    return a


def _tc_mean_kernel(ids_ref, x_ref, o_ref):
    ids = ids_ref[0]
    s = ids.shape[1]
    sm = (ids >= START_MIN) & (ids <= START_MAX)
    em = (ids >= END_MIN) & (ids <= END_MAX)
    s_cum = _incl_cumsum_lanes(sm.astype(jnp.int32))
    e_cum = _incl_cumsum_lanes(em.astype(jnp.int32))

    seg = lax.broadcasted_iota(jnp.int32, (N_SEG, s), 0)
    maskf = jnp.where(
        (s_cum == seg + 1) & (e_cum == seg) & (~sm) & (~em), 1.0, 0.0)

    sums = lax.dot_general(
        maskf.astype(jnp.bfloat16), x_ref[0].astype(jnp.bfloat16),
        dimension_numbers=(((1,), (0,)), ((), ())),
        preferred_element_type=jnp.float32,
    )
    counts = jnp.sum(maskf, axis=1, keepdims=True)
    o_ref[0] = sums / counts


def _tc_means(x, input_ids):
    b, s, d = x.shape
    ids3 = input_ids.reshape(b, 1, s)
    return pl.pallas_call(
        _tc_mean_kernel,
        grid=(b,),
        in_specs=[
            pl.BlockSpec((1, 1, s), lambda i: (i, 0, 0)),
            pl.BlockSpec((1, s, d), lambda i: (i, 0, 0)),
        ],
        out_specs=pl.BlockSpec((1, N_SEG, d), lambda i: (i, 0, 0)),
        out_shape=jax.ShapeDtypeStruct((b, N_SEG, d), jnp.float32),
        cost_estimate=pl.CostEstimate(
            flops=2 * b * N_SEG * s * d,
            bytes_accessed=b * s * d * 4,
            transcendentals=0,
        ),
    )(ids3, x)


def kernel(x, attention_mask, input_ids):
    del attention_mask
    xx01 = _sc_gather(x, input_ids)
    xx2 = _tc_means(x, input_ids)
    return jnp.concatenate([xx01, xx2], axis=-1)

# --- scband reference (transcript-rebuilt; emitter-appended) ---
"""Pipeline reference for scband-nlpallcls-token-pooling-46093589020940 (READ-ONLY COPY).

The authoritative reference and input builder live on the scoring server;
editing this copy changes nothing except your own understanding.
"""

import jax, jax.numpy as jnp
import numpy as np

B, S, D = 8, 2048, 768
N_SEG = 16
SEG_LEN = S // N_SEG  # 128
START_IDS = (1, 2)
END_IDS = (3, 4)


def setup_inputs(seed: int = 0) -> dict:
    key = jax.random.key(seed)
    x = jax.random.normal(key, (B, S, D), dtype=jnp.float32)
    attention_mask = jnp.ones((B, S), dtype=jnp.int32)
    # Structured input_ids: each sequence has N_SEG discourse segments.
    # Segment i spans positions [i*SEG_LEN, i*SEG_LEN + SEG_LEN - 1];
    # the first position holds a start token (in [1,2]) and the last an end token (in [3,4]).
    rng = np.random.default_rng(0)
    ids = rng.integers(10, 32000, size=(B, S)).astype(np.int32)
    for i in range(N_SEG):
        sp = i * SEG_LEN
        ep = i * SEG_LEN + SEG_LEN - 1
        ids[:, sp] = 1 + (i % 2)   # start token id in {1, 2}
        ids[:, ep] = 3 + (i % 2)   # end token id in {3, 4}
    input_ids = jnp.asarray(ids, dtype=jnp.int32)
    return {"x": x, "attention_mask": attention_mask, "input_ids": input_ids}


def reference(x, attention_mask, input_ids):
    # Faithful translation of NLPAllclsTokenPooling.forward (group_discourse=True).
    # For each batch row: gather start-token embedding, end-token embedding, and the
    # mean of embeddings strictly between them; concat to a [n_seg, 3*D] block.
    start_min, start_max = min(START_IDS), max(START_IDS)
    end_min, end_max = min(END_IDS), max(END_IDS)
    Sj = x.shape[1]
    pos = jnp.arange(Sj)
    ret = []
    for j in range(x.shape[0]):
        ids_j = input_ids[j]
        start_mask = (ids_j >= start_min) & (ids_j <= start_max)
        end_mask = (ids_j >= end_min) & (ids_j <= end_max)
        idx0 = jnp.nonzero(start_mask, size=N_SEG)[0]
        idx1 = jnp.nonzero(end_mask, size=N_SEG)[0]
        xx0 = x[j, idx0]                       # [N_SEG, D] gather of start tokens
        xx1 = x[j, idx1]                       # [N_SEG, D] gather of end tokens
        # masked mean over the open interval (idx0[jj], idx1[jj]) for each segment
        in_mask = (pos[None, :] > idx0[:, None]) & (pos[None, :] < idx1[:, None])  # [N_SEG, S]
        m = in_mask.astype(x.dtype)
        sums = m @ x[j]                        # [N_SEG, D]
        counts = m.sum(axis=1, keepdims=True)
        xx2 = sums / counts
        ret.append(jnp.concatenate([xx0, xx1, xx2], axis=1))  # [N_SEG, 3*D]
    return jnp.stack(ret)  # [B, N_SEG, 3*D]

if __name__ == "__main__":
    import jax
    _d = setup_inputs()
    print(jax.jit(kernel)(*tuple(_d.values())))

</pallas_src>

<mosaic_0001>
#map = affine_map<(d0, d1) -> (0, 0)>
#map1 = affine_map<(d0, d1) -> (0, 0, 0)>
module attributes {stable_mosaic.version = 14 : i64} {
  func.func @_sc_gather_kernel(%arg0: i32, %arg1: i32, %arg2: memref<16384x768xf32, #tpu.memory_space<hbm>>, %arg3: memref<8x2048xi32, #tpu.memory_space<hbm>>, %arg4: memref<8x16x1536xf32, #tpu.memory_space<hbm>>, %arg5: memref<2048xi32, #tpu.memory_space<vmem>>, %arg6: memref<16xi32, #tpu.memory_space<vmem>>, %arg7: memref<16x768xf32, #tpu.memory_space<vmem>>, %arg8: memref<16xi32, #tpu.memory_space<vmem>>, %arg9: memref<!tpu.dma_semaphore, #tpu.memory_space<semaphore_mem>>) attributes {dimension_semantics = [#tpu.dimension_semantics<core_parallel>, #tpu.dimension_semantics<subcore_parallel>], iteration_bounds = array<i64: 1, 16>, scalar_prefetch = 0 : i64, scratch_operands = 5 : i64, tpu.core_type = #tpu.core_type<sc_vector_subcore>, window_params = [{transform_indices = #map}, {transform_indices = #map}, {transform_indices = #map1}]} {
    %jit3A = arith.constant 8 : i32
    %eq3A = arith.constant 0 : i32
    %eq3A_0 = arith.cmpi eq, %jit3A, %eq3A : i32
    %jit3A_1 = arith.constant 1 : i32
    %select_n3A = arith.select %eq3A_0, %jit3A_1, %jit3A : i32
    %rem3A = arith.remsi %arg1, %select_n3A : i32
    %ne3A = arith.constant 0 : i32
    %ne3A_2 = arith.cmpi ne, %rem3A, %ne3A : i32
    %lt3A = arith.constant 0 : i32
    %lt3A_3 = arith.cmpi slt, %rem3A, %lt3A : i32
    %lt3A_4 = arith.constant 0 : i32
    %lt3A_5 = arith.cmpi slt, %select_n3A, %lt3A_4 : i32
    %ne3A_6 = arith.xori %lt3A_3, %lt3A_5 : i1
    %and3A = arith.andi %ne3A_6, %ne3A_2 : i1
    %add3A = arith.addi %rem3A, %select_n3A : i32
    %select_n3A_7 = arith.select %and3A, %add3A, %rem3A : i32
    %jit3A_8 = arith.constant 8 : i32
    %div3A = arith.divsi %arg1, %jit3A_8 : i32
    %sign3A = arith.constant 0 : i32
    %sign3A_9 = arith.cmpi sgt, %arg1, %sign3A : i32
    %sign3A_10 = arith.extui %sign3A_9 : i1 to i32
    %sign3A_11 = arith.constant 0 : i32
    %sign3A_12 = arith.cmpi slt, %arg1, %sign3A_11 : i32
    %sign3A_13 = arith.extui %sign3A_12 : i1 to i32
    %sign3A_14 = arith.subi %sign3A_10, %sign3A_13 : i32
    %sign3A_15 = arith.constant 0 : i32
    %sign3A_16 = arith.cmpi sgt, %jit3A_8, %sign3A_15 : i32
    %sign3A_17 = arith.extui %sign3A_16 : i1 to i32
    %sign3A_18 = arith.constant 0 : i32
    %sign3A_19 = arith.cmpi slt, %jit3A_8, %sign3A_18 : i32
    %sign3A_20 = arith.extui %sign3A_19 : i1 to i32
    %sign3A_21 = arith.subi %sign3A_17, %sign3A_20 : i32
    %ne3A_22 = arith.cmpi ne, %sign3A_14, %sign3A_21 : i32
    %rem3A_23 = arith.remsi %arg1, %jit3A_8 : i32
    %ne3A_24 = arith.constant 0 : i32
    %ne3A_25 = arith.cmpi ne, %rem3A_23, %ne3A_24 : i32
    %and3A_26 = arith.andi %ne3A_22, %ne3A_25 : i1
    %sub3A = arith.constant 1 : i32
    %sub3A_27 = arith.subi %div3A, %sub3A : i32
    %select_n3A_28 = arith.select %and3A_26, %sub3A_27, %div3A : i32
    %lt3A_29 = arith.constant 2 : i32
    %lt3A_30 = arith.cmpi slt, %select_n3A_28, %lt3A_29 : i32
    %convert_element_type3A = arith.extui %lt3A_30 : i1 to i32
    %cond3A = arith.constant 0 : i32
    %cond3A_31 = arith.cmpi ne, %convert_element_type3A, %cond3A : i32
    scf.if %cond3A_31 {
      "tpu.region"() ({
        %run_scoped3A = tpu.sem_alloc : memref<!tpu.dma_semaphore, #tpu.memory_space<semaphore_mem>>
        %dma_start3A_62 = arith.constant 0 : i32
        %dma_start3A_63 = tpu.memref_slice %arg3[%select_n3A_7, %dma_start3A_62] : memref<8x2048xi32, #tpu.memory_space<hbm>> -> memref<1x2048xi32, #tpu.memory_space<hbm>>
        %dma_start3A_64 = tpu.memref_squeeze %dma_start3A_63 : memref<1x2048xi32, #tpu.memory_space<hbm>> -> memref<2048xi32, #tpu.memory_space<hbm>>
        %dma_start3A_65 = arith.constant 0 : i32
        %dma_start3A_66 = tpu.memref_slice %arg3[%select_n3A_7, %dma_start3A_65] : memref<8x2048xi32, #tpu.memory_space<hbm>> -> memref<1x2048xi32, #tpu.memory_space<hbm>>
        %dma_start3A_67 = tpu.memref_squeeze %dma_start3A_66 : memref<1x2048xi32, #tpu.memory_space<hbm>> -> memref<2048xi32, #tpu.memory_space<hbm>>
        tpu.enqueue_dma source(%dma_start3A_67 : memref<2048xi32, #tpu.memory_space<hbm>>) target(%arg5 : memref<2048xi32, #tpu.memory_space<vmem>>) target_semaphore(%run_scoped3A : memref<!tpu.dma_semaphore, #tpu.memory_space<semaphore_mem>>)
        %dma_wait3A_68 = arith.constant 0 : i32
        %dma_wait3A_69 = tpu.memref_slice %arg3[%select_n3A_7, %dma_wait3A_68] : memref<8x2048xi32, #tpu.memory_space<hbm>> -> memref<1x2048xi32, #tpu.memory_space<hbm>>
        %dma_wait3A_70 = tpu.memref_squeeze %dma_wait3A_69 : memref<1x2048xi32, #tpu.memory_space<hbm>> -> memref<2048xi32, #tpu.memory_space<hbm>>
        %dma_wait3A_71 = arith.constant 0 : i32
        %dma_wait3A_72 = tpu.memref_slice %arg3[%select_n3A_7, %dma_wait3A_71] : memref<8x2048xi32, #tpu.memory_space<hbm>> -> memref<1x2048xi32, #tpu.memory_space<hbm>>
        %dma_wait3A_73 = tpu.memref_squeeze %dma_wait3A_72 : memref<1x2048xi32, #tpu.memory_space<hbm>> -> memref<2048xi32, #tpu.memory_space<hbm>>
        tpu.wait_dma2 semaphore(%run_scoped3A : memref<!tpu.dma_semaphore, #tpu.memory_space<semaphore_mem>>) src(%dma_wait3A_73 : memref<2048xi32, #tpu.memory_space<hbm>>) dst(%arg5 : memref<2048xi32, #tpu.memory_space<vmem>>)
        tpu.yield
      }) : () -> ()
      %eq3A_32 = arith.constant 0 : i32
      %eq3A_33 = arith.cmpi eq, %select_n3A_28, %eq3A_32 : i32
      %jit3A_34 = arith.constant 1 : i32
      %jit3A_35 = arith.constant 3 : i32
      %select_n3A_36 = arith.select %eq3A_33, %jit3A_34, %jit3A_35 : i32
      %eq3A_37 = arith.constant 0 : i32
      %eq3A_38 = arith.cmpi eq, %select_n3A_28, %eq3A_37 : i32
      %jit3A_39 = arith.constant 2 : i32
      %jit3A_40 = arith.constant 4 : i32
      %select_n3A_41 = arith.select %eq3A_38, %jit3A_39, %jit3A_40 : i32
      %iota3A = tpu.iota {dimensions = array<i32: 0>} : vector<16xi32>
      %broadcast_in_dim3A = arith.constant 0 : i32
      %broadcast_in_dim3A_42 = vector.broadcast %broadcast_in_dim3A : i32 to vector<16xi32>
      %scan3A = arith.constant 0 : i32
      %scan3A_43 = arith.constant 128 : i32
      %scan3A_44 = arith.addi %scan3A, %scan3A_43 : i32
      %scan3A_45 = arith.constant 1 : i32
      %scan3A_46 = scf.for %scan3A_62 = %scan3A to %scan3A_44 step %scan3A_45 iter_args(%scan3A_63 = %broadcast_in_dim3A_42) -> (vector<16xi32>)  : i32 {
        %mul3A = arith.constant 16 : i32
        %mul3A_64 = arith.muli %scan3A_62, %mul3A : i32
        %get3A = arith.index_cast %mul3A_64 : i32 to index
        %get3A_65 = tpu.vector_load %arg5[%get3A] {strides = array<i32>} : memref<2048xi32, #tpu.memory_space<vmem>>, vector<16xi32>,
        %ge3A = vector.broadcast %select_n3A_36 : i32 to vector<16xi32>
        %ge3A_66 = arith.cmpi sge, %get3A_65, %ge3A : vector<16xi32>
        %le3A = vector.broadcast %select_n3A_41 : i32 to vector<16xi32>
        %le3A_67 = arith.cmpi sle, %get3A_65, %le3A : vector<16xi32>
        %and3A_68 = arith.andi %ge3A_66, %le3A_67 : vector<16xi1>
        %reduce_or3A = arith.constant 1.000000e+00 : f32
        %reduce_or3A_69 = arith.constant 0.000000e+00 : f32
        %reduce_or3A_70 = vector.broadcast %reduce_or3A : f32 to vector<16xf32>
        %reduce_or3A_71 = vector.broadcast %reduce_or3A_69 : f32 to vector<16xf32>
        %reduce_or3A_72 = arith.select %and3A_68, %reduce_or3A_70, %reduce_or3A_71 : vector<16xi1>, vector<16xf32>
        %reduce_or3A_73 = arith.constant true
        %reduce_or3A_74 = vector.broadcast %reduce_or3A_73 : i1 to vector<16xi1>
        %reduce_or3A_75 = tpu.scan <max>, %reduce_or3A_72 masked %reduce_or3A_74 : vector<16xf32>, vector<16xi1> -> vector<16xf32>
        %reduce_or3A_76 = vector.extract %reduce_or3A_75[15] : f32 from vector<16xf32>
        %reduce_or3A_77 = arith.constant 0.000000e+00 : f32
        %reduce_or3A_78 = arith.cmpf ogt, %reduce_or3A_76, %reduce_or3A_77 : f32
        %convert_element_type3A_79 = arith.extui %reduce_or3A_78 : i1 to i32
        %cond3A_80 = arith.constant 0 : i32
        %cond3A_81 = arith.cmpi ne, %convert_element_type3A_79, %cond3A_80 : i32
        %cond3A_82 = scf.if %cond3A_81 -> (vector<16xi32>) {
          %jit3A_83 = arith.constant 1 : i32
          %jit3A_84 = arith.constant 0 : i32
          %broadcast_in_dim3A_85 = vector.broadcast %jit3A_83 : i32 to vector<16xi32>
          %broadcast_in_dim3A_86 = vector.broadcast %jit3A_84 : i32 to vector<16xi32>
          %select_n3A_87 = arith.select %and3A_68, %broadcast_in_dim3A_85, %broadcast_in_dim3A_86 : vector<16xi1>, vector<16xi32>
          %swap3A = arith.constant 0 : index
          %swap3A_88 = tpu.vector_load %arg8[%swap3A] {strides = array<i32>} : memref<16xi32, #tpu.memory_space<vmem>>, vector<16xi32>,
          tpu.vector_store %arg8[%swap3A], %select_n3A_87 {strides = array<i32>} : memref<16xi32, #tpu.memory_space<vmem>>, vector<16xi32>,
          %sub3A_89 = arith.constant 1 : i32
          %sub3A_90 = vector.broadcast %sub3A_89 : i32 to vector<16xi32>
          %sub3A_91 = arith.subi %iota3A, %sub3A_90 : vector<16xi32>
          %max3A = arith.constant 0 : i32
          %max3A_92 = vector.broadcast %max3A : i32 to vector<16xi32>
          %max3A_93 = arith.maxsi %sub3A_91, %max3A_92 : vector<16xi32>
          %gather3A = tpu.vector_load_idx %arg8[%max3A_93] : memref<16xi32, #tpu.memory_space<vmem>>[vector<16xi32>], vector<16xi32>,
          %ge3A_94 = arith.constant 1 : i32
          %ge3A_95 = vector.broadcast %ge3A_94 : i32 to vector<16xi32>
          %ge3A_96 = arith.cmpi sge, %iota3A, %ge3A_95 : vector<16xi32>
          %jit3A_97 = arith.constant 0 : i32
          %broadcast_in_dim3A_98 = vector.broadcast %jit3A_97 : i32 to vector<16xi32>
          %select_n3A_99 = arith.select %ge3A_96, %gather3A, %broadcast_in_dim3A_98 : vector<16xi1>, vector<16xi32>
          %add3A_100 = arith.addi %select_n3A_87, %select_n3A_99 : vector<16xi32>
          %swap3A_101 = arith.constant 0 : index
          %swap3A_102 = tpu.vector_load %arg8[%swap3A_101] {strides = array<i32>} : memref<16xi32, #tpu.memory_space<vmem>>, vector<16xi32>,
          tpu.vector_store %arg8[%swap3A_101], %add3A_100 {strides = array<i32>} : memref<16xi32, #tpu.memory_space<vmem>>, vector<16xi32>,
          %sub3A_103 = arith.constant 2 : i32
          %sub3A_104 = vector.broadcast %sub3A_103 : i32 to vector<16xi32>
          %sub3A_105 = arith.subi %iota3A, %sub3A_104 : vector<16xi32>
          %max3A_106 = arith.constant 0 : i32
          %max3A_107 = vector.broadcast %max3A_106 : i32 to vector<16xi32>
          %max3A_108 = arith.maxsi %sub3A_105, %max3A_107 : vector<16xi32>
          %gather3A_109 = tpu.vector_load_idx %arg8[%max3A_108] : memref<16xi32, #tpu.memory_space<vmem>>[vector<16xi32>], vector<16xi32>,
          %ge3A_110 = arith.constant 2 : i32
          %ge3A_111 = vector.broadcast %ge3A_110 : i32 to vector<16xi32>
          %ge3A_112 = arith.cmpi sge, %iota3A, %ge3A_111 : vector<16xi32>
          %jit3A_113 = arith.constant 0 : i32
          %broadcast_in_dim3A_114 = vector.broadcast %jit3A_113 : i32 to vector<16xi32>
          %select_n3A_115 = arith.select %ge3A_112, %gather3A_109, %broadcast_in_dim3A_114 : vector<16xi1>, vector<16xi32>
          %add3A_116 = arith.addi %add3A_100, %select_n3A_115 : vector<16xi32>
          %swap3A_117 = arith.constant 0 : index
          %swap3A_118 = tpu.vector_load %arg8[%swap3A_117] {strides = array<i32>} : memref<16xi32, #tpu.memory_space<vmem>>, vector<16xi32>,
          tpu.vector_store %arg8[%swap3A_117], %add3A_116 {strides = array<i32>} : memref<16xi32, #tpu.memory_space<vmem>>, vector<16xi32>,
          %sub3A_119 = arith.constant 4 : i32
          %sub3A_120 = vector.broadcast %sub3A_119 : i32 to vector<16xi32>
          %sub3A_121 = arith.subi %iota3A, %sub3A_120 : vector<16xi32>
          %max3A_122 = arith.constant 0 : i32
          %max3A_123 = vector.broadcast %max3A_122 : i32 to vector<16xi32>
          %max3A_124 = arith.maxsi %sub3A_121, %max3A_123 : vector<16xi32>
          %gather3A_125 = tpu.vector_load_idx %arg8[%max3A_124] : memref<16xi32, #tpu.memory_space<vmem>>[vector<16xi32>], vector<16xi32>,
          %ge3A_126 = arith.constant 4 : i32
          %ge3A_127 = vector.broadcast %ge3A_126 : i32 to vector<16xi32>
          %ge3A_128 = arith.cmpi sge, %iota3A, %ge3A_127 : vector<16xi32>
          %jit3A_129 = arith.constant 0 : i32
          %broadcast_in_dim3A_130 = vector.broadcast %jit3A_129 : i32 to vector<16xi32>
          %select_n3A_131 = arith.select %ge3A_128, %gather3A_125, %broadcast_in_dim3A_130 : vector<16xi1>, vector<16xi32>
          %add3A_132 = arith.addi %add3A_116, %select_n3A_131 : vector<16xi32>
          %swap3A_133 = arith.constant 0 : index
          %swap3A_134 = tpu.vector_load %arg8[%swap3A_133] {strides = array<i32>} : memref<16xi32, #tpu.memory_space<vmem>>, vector<16xi32>,
          tpu.vector_store %arg8[%swap3A_133], %add3A_132 {strides = array<i32>} : memref<16xi32, #tpu.memory_space<vmem>>, vector<16xi32>,
          %sub3A_135 = arith.constant 8 : i32
          %sub3A_136 = vector.broadcast %sub3A_135 : i32 to vector<16xi32>
          %sub3A_137 = arith.subi %iota3A, %sub3A_136 : vector<16xi32>
          %max3A_138 = arith.constant 0 : i32
          %max3A_139 = vector.broadcast %max3A_138 : i32 to vector<16xi32>
          %max3A_140 = arith.maxsi %sub3A_137, %max3A_139 : vector<16xi32>
          %gather3A_141 = tpu.vector_load_idx %arg8[%max3A_140] : memref<16xi32, #tpu.memory_space<vmem>>[vector<16xi32>], vector<16xi32>,
          %ge3A_142 = arith.constant 8 : i32
          %ge3A_143 = vector.broadcast %ge3A_142 : i32 to vector<16xi32>
          %ge3A_144 = arith.cmpi sge, %iota3A, %ge3A_143 : vector<16xi32>
          %jit3A_145 = arith.constant 0 : i32
          %broadcast_in_dim3A_146 = vector.broadcast %jit3A_145 : i32 to vector<16xi32>
          %select_n3A_147 = arith.select %ge3A_144, %gather3A_141, %broadcast_in_dim3A_146 : vector<16xi1>, vector<16xi32>
          %add3A_148 = arith.addi %add3A_132, %select_n3A_147 : vector<16xi32>
          %add3A_149 = arith.addi %scan3A_63, %add3A_148 : vector<16xi32>
          %sub3A_150 = arith.constant 1 : i32
          %sub3A_151 = vector.broadcast %sub3A_150 : i32 to vector<16xi32>
          %sub3A_152 = arith.subi %add3A_149, %sub3A_151 : vector<16xi32>
          %jit3A_153 = arith.constant 0 : i32
          %jit3A_154 = arith.constant 15 : i32
          %max3A_155 = vector.broadcast %jit3A_153 : i32 to vector<16xi32>
          %max3A_156 = arith.maxsi %max3A_155, %sub3A_152 : vector<16xi32>
          %min3A = vector.broadcast %jit3A_154 : i32 to vector<16xi32>
          %min3A_157 = arith.minsi %min3A, %max3A_156 : vector<16xi32>
          %mul3A_158 = arith.constant 2048 : i32
          %mul3A_159 = arith.muli %select_n3A_7, %mul3A_158 : i32
          %mul3A_160 = arith.constant 16 : i32
          %mul3A_161 = arith.muli %scan3A_62, %mul3A_160 : i32
          %add3A_162 = arith.addi %mul3A_159, %mul3A_161 : i32
          %add3A_163 = vector.broadcast %add3A_162 : i32 to vector<16xi32>
          %add3A_164 = arith.addi %add3A_163, %iota3A : vector<16xi32>
          tpu.vector_store_idx %arg6[%min3A_157], %add3A_164 masked %and3A_68 : memref<16xi32, #tpu.memory_space<vmem>>[vector<16xi32>], vector<16xi32>, vector<16xi1>
          %all_reduce_population_count3A = tpu.all_reduce %and3A_68 {dim = 0 : i64, kind = #tpu.reduction_kind<sum>} : vector<16xi1> -> vector<16xi32>
          %add3A_165 = arith.addi %scan3A_63, %all_reduce_population_count3A : vector<16xi32>
          scf.yield %add3A_165 : vector<16xi32>
        } else {
          scf.yield %scan3A_63 : vector<16xi32>
        }
        scf.yield %cond3A_82 : vector<16xi32>
      }
      %scan3A_47 = arith.constant 128 : i32
      %dma_start3A = arith.constant 0 : i32
      %dma_start3A_48 = arith.constant 0 : i32
      %dma_start3A_49 = tpu.memref_slice %arg2[%dma_start3A, %dma_start3A_48] : memref<16384x768xf32, #tpu.memory_space<hbm>> -> memref<16384x768xf32, #tpu.memory_space<hbm>>
      tpu.enqueue_indirect_dma source(%dma_start3A_49 : memref<16384x768xf32, #tpu.memory_space<hbm>>) target(%arg7 : memref<16x768xf32, #tpu.memory_space<vmem>>) offsets(%arg6 : memref<16xi32, #tpu.memory_space<vmem>>) semaphore(%arg9 : memref<!tpu.dma_semaphore, #tpu.memory_space<semaphore_mem>>)
      %dma_wait3A = arith.constant 0 : i32
      %dma_wait3A_50 = arith.constant 0 : i32
      %dma_wait3A_51 = tpu.memref_slice %arg2[%dma_wait3A, %dma_wait3A_50] : memref<16384x768xf32, #tpu.memory_space<hbm>> -> memref<16384x768xf32, #tpu.memory_space<hbm>>
      tpu.wait_indirect_dma semaphore(%arg9 : memref<!tpu.dma_semaphore, #tpu.memory_space<semaphore_mem>>) src(%dma_wait3A_51 : memref<16384x768xf32, #tpu.memory_space<hbm>>) dst(%arg7 : memref<16x768xf32, #tpu.memory_space<vmem>>)
      %eq3A_52 = arith.constant 0 : i32
      %eq3A_53 = arith.cmpi eq, %select_n3A_28, %eq3A_52 : i32
      %convert_element_type3A_54 = arith.extui %eq3A_53 : i1 to i32
      %cond3A_55 = arith.constant 0 : i32
      %cond3A_56 = arith.cmpi ne, %convert_element_type3A_54, %cond3A_55 : i32
      scf.if %cond3A_56 {
        "tpu.region"() ({
          %run_scoped3A = tpu.sem_alloc : memref<!tpu.dma_semaphore, #tpu.memory_space<semaphore_mem>>
          %dma_start3A_62 = arith.constant 0 : i32
          %dma_start3A_63 = arith.constant 0 : i32
          %dma_start3A_64 = tpu.memref_slice %arg4[%select_n3A_7, %dma_start3A_62, %dma_start3A_63] : memref<8x16x1536xf32, #tpu.memory_space<hbm>> -> memref<1x16x768xf32, #tpu.memory_space<hbm>>
          %dma_start3A_65 = tpu.memref_squeeze %dma_start3A_64 : memref<1x16x768xf32, #tpu.memory_space<hbm>> -> memref<16x768xf32, #tpu.memory_space<hbm>>
          %dma_start3A_66 = arith.constant 0 : i32
          %dma_start3A_67 = arith.constant 0 : i32
          %dma_start3A_68 = tpu.memref_slice %arg4[%select_n3A_7, %dma_start3A_66, %dma_start3A_67] : memref<8x16x1536xf32, #tpu.memory_space<hbm>> -> memref<1x16x768xf32, #tpu.memory_space<hbm>>
          %dma_start3A_69 = tpu.memref_squeeze %dma_start3A_68 : memref<1x16x768xf32, #tpu.memory_space<hbm>> -> memref<16x768xf32, #tpu.memory_space<hbm>>
          tpu.enqueue_dma source(%arg7 : memref<16x768xf32, #tpu.memory_space<vmem>>) target(%dma_start3A_69 : memref<16x768xf32, #tpu.memory_space<hbm>>) target_semaphore(%run_scoped3A : memref<!tpu.dma_semaphore, #tpu.memory_space<semaphore_mem>>)
          %dma_wait3A_70 = arith.constant 0 : i32
          %dma_wait3A_71 = arith.constant 0 : i32
          %dma_wait3A_72 = tpu.memref_slice %arg4[%select_n3A_7, %dma_wait3A_70, %dma_wait3A_71] : memref<8x16x1536xf32, #tpu.memory_space<hbm>> -> memref<1x16x768xf32, #tpu.memory_space<hbm>>
          %dma_wait3A_73 = tpu.memref_squeeze %dma_wait3A_72 : memref<1x16x768xf32, #tpu.memory_space<hbm>> -> memref<16x768xf32, #tpu.memory_space<hbm>>
          %dma_wait3A_74 = arith.constant 0 : i32
          %dma_wait3A_75 = arith.constant 0 : i32
          %dma_wait3A_76 = tpu.memref_slice %arg4[%select_n3A_7, %dma_wait3A_74, %dma_wait3A_75] : memref<8x16x1536xf32, #tpu.memory_space<hbm>> -> memref<1x16x768xf32, #tpu.memory_space<hbm>>
          %dma_wait3A_77 = tpu.memref_squeeze %dma_wait3A_76 : memref<1x16x768xf32, #tpu.memory_space<hbm>> -> memref<16x768xf32, #tpu.memory_space<hbm>>
          tpu.wait_dma2 semaphore(%run_scoped3A : memref<!tpu.dma_semaphore, #tpu.memory_space<semaphore_mem>>) src(%arg7 : memref<16x768xf32, #tpu.memory_space<vmem>>) dst(%dma_wait3A_77 : memref<16x768xf32, #tpu.memory_space<hbm>>)
          tpu.yield
        }) : () -> ()
      } else {
      }
      %eq3A_57 = arith.constant 1 : i32
      %eq3A_58 = arith.cmpi eq, %select_n3A_28, %eq3A_57 : i32
      %convert_element_type3A_59 = arith.extui %eq3A_58 : i1 to i32
      %cond3A_60 = arith.constant 0 : i32
      %cond3A_61 = arith.cmpi ne, %convert_element_type3A_59, %cond3A_60 : i32
      scf.if %cond3A_61 {
        "tpu.region"() ({
          %run_scoped3A = tpu.sem_alloc : memref<!tpu.dma_semaphore, #tpu.memory_space<semaphore_mem>>
          %dma_start3A_62 = arith.constant 0 : i32
          %dma_start3A_63 = arith.constant 768 : i32
          %dma_start3A_64 = tpu.memref_slice %arg4[%select_n3A_7, %dma_start3A_62, %dma_start3A_63] : memref<8x16x1536xf32, #tpu.memory_space<hbm>> -> memref<1x16x768xf32, #tpu.memory_space<hbm>>
          %dma_start3A_65 = tpu.memref_squeeze %dma_start3A_64 : memref<1x16x768xf32, #tpu.memory_space<hbm>> -> memref<16x768xf32, #tpu.memory_space<hbm>>
          %dma_start3A_66 = arith.constant 0 : i32
          %dma_start3A_67 = arith.constant 768 : i32
          %dma_start3A_68 = tpu.memref_slice %arg4[%select_n3A_7, %dma_start3A_66, %dma_start3A_67] : memref<8x16x1536xf32, #tpu.memory_space<hbm>> -> memref<1x16x768xf32, #tpu.memory_space<hbm>>
          %dma_start3A_69 = tpu.memref_squeeze %dma_start3A_68 : memref<1x16x768xf32, #tpu.memory_space<hbm>> -> memref<16x768xf32, #tpu.memory_space<hbm>>
          tpu.enqueue_dma source(%arg7 : memref<16x768xf32, #tpu.memory_space<vmem>>) target(%dma_start3A_69 : memref<16x768xf32, #tpu.memory_space<hbm>>) target_semaphore(%run_scoped3A : memref<!tpu.dma_semaphore, #tpu.memory_space<semaphore_mem>>)
          %dma_wait3A_70 = arith.constant 0 : i32
          %dma_wait3A_71 = arith.constant 768 : i32
          %dma_wait3A_72 = tpu.memref_slice %arg4[%select_n3A_7, %dma_wait3A_70, %dma_wait3A_71] : memref<8x16x1536xf32, #tpu.memory_space<hbm>> -> memref<1x16x768xf32, #tpu.memory_space<hbm>>
          %dma_wait3A_73 = tpu.memref_squeeze %dma_wait3A_72 : memref<1x16x768xf32, #tpu.memory_space<hbm>> -> memref<16x768xf32, #tpu.memory_space<hbm>>
          %dma_wait3A_74 = arith.constant 0 : i32
          %dma_wait3A_75 = arith.constant 768 : i32
          %dma_wait3A_76 = tpu.memref_slice %arg4[%select_n3A_7, %dma_wait3A_74, %dma_wait3A_75] : memref<8x16x1536xf32, #tpu.memory_space<hbm>> -> memref<1x16x768xf32, #tpu.memory_space<hbm>>
          %dma_wait3A_77 = tpu.memref_squeeze %dma_wait3A_76 : memref<1x16x768xf32, #tpu.memory_space<hbm>> -> memref<16x768xf32, #tpu.memory_space<hbm>>
          tpu.wait_dma2 semaphore(%run_scoped3A : memref<!tpu.dma_semaphore, #tpu.memory_space<semaphore_mem>>) src(%arg7 : memref<16x768xf32, #tpu.memory_space<vmem>>) dst(%dma_wait3A_77 : memref<16x768xf32, #tpu.memory_space<hbm>>)
          tpu.yield
        }) : () -> ()
      } else {
      }
    } else {
    }
    return
  }
}

module attributes {stable_mosaic.version = 14 : i64} {
  func.func @_tc_mean_kernel(%arg0: i32, %arg1: memref<1x1x2048xi32, #tpu.memory_space<vmem>>, %arg2: memref<1x2048x768xf32, #tpu.memory_space<vmem>>, %arg3: memref<1x16x768xf32, #tpu.memory_space<vmem>>) attributes {dimension_semantics = [#tpu.dimension_semantics<arbitrary>], iteration_bounds = array<i64: 8>, scalar_prefetch = 0 : i64, scratch_operands = 0 : i64, tpu.core_type = #tpu.core_type<tc>, window_params = [{transform_indices = @transform_0, window_bounds = array<i64: 1, 1, 2048>}, {transform_indices = @transform_1, window_bounds = array<i64: 1, 2048, 768>}, {transform_indices = @transform_2, window_bounds = array<i64: 1, 16, 768>}]} {
    %get3A = arith.constant 0 : index
    %get3A_0 = arith.constant 0 : index
    %get3A_1 = arith.constant 0 : index
    %get3A_2 = vector.load %arg1[%get3A, %get3A_0, %get3A_1] : memref<1x1x2048xi32, #tpu.memory_space<vmem>>, vector<1x1x2048xi32>
    %get3A_3 = vector.shape_cast %get3A_2 : vector<1x1x2048xi32> to vector<1x2048xi32>
    %ge3A = arith.constant 1 : i32
    %ge3A_4 = vector.broadcast %ge3A : i32 to vector<1x2048xi32>
    %ge3A_5 = arith.cmpi sge, %get3A_3, %ge3A_4 : vector<1x2048xi32>
    %le3A = arith.constant 2 : i32
    %le3A_6 = vector.broadcast %le3A : i32 to vector<1x2048xi32>
    %le3A_7 = arith.cmpi sle, %get3A_3, %le3A_6 : vector<1x2048xi32>
    %and3A = arith.andi %ge3A_5, %le3A_7 : vector<1x2048xi1>
    %ge3A_8 = arith.constant 3 : i32
    %ge3A_9 = vector.broadcast %ge3A_8 : i32 to vector<1x2048xi32>
    %ge3A_10 = arith.cmpi sge, %get3A_3, %ge3A_9 : vector<1x2048xi32>
    %le3A_11 = arith.constant 4 : i32
    %le3A_12 = vector.broadcast %le3A_11 : i32 to vector<1x2048xi32>
    %le3A_13 = arith.cmpi sle, %get3A_3, %le3A_12 : vector<1x2048xi32>
    %and3A_14 = arith.andi %ge3A_10, %le3A_13 : vector<1x2048xi1>
    %convert_element_type3A = arith.extui %and3A : vector<1x2048xi1> to vector<1x2048xi32>
    %broadcast_in_dim3A = arith.constant 0 : i32
    %broadcast_in_dim3A_15 = vector.broadcast %broadcast_in_dim3A : i32 to vector<1x1xi32>
    %slice3A = vector.extract_strided_slice %convert_element_type3A {offsets = [0, 0], sizes = [1, 2047], strides = [1, 1]} : vector<1x2048xi32> to vector<1x2047xi32>
    %concatenate3A = tpu.concatenate %broadcast_in_dim3A_15, %slice3A in 1 : vector<1x1xi32>, vector<1x2047xi32> -> vector<1x2048xi32>
    %add3A = arith.addi %convert_element_type3A, %concatenate3A : vector<1x2048xi32>
    %broadcast_in_dim3A_16 = arith.constant 0 : i32
    %broadcast_in_dim3A_17 = vector.broadcast %broadcast_in_dim3A_16 : i32 to vector<1x2xi32>
    %slice3A_18 = vector.extract_strided_slice %add3A {offsets = [0, 0], sizes = [1, 2046], strides = [1, 1]} : vector<1x2048xi32> to vector<1x2046xi32>
    %concatenate3A_19 = tpu.concatenate %broadcast_in_dim3A_17, %slice3A_18 in 1 : vector<1x2xi32>, vector<1x2046xi32> -> vector<1x2048xi32>
    %add3A_20 = arith.addi %add3A, %concatenate3A_19 : vector<1x2048xi32>
    %broadcast_in_dim3A_21 = arith.constant 0 : i32
    %broadcast_in_dim3A_22 = vector.broadcast %broadcast_in_dim3A_21 : i32 to vector<1x4xi32>
    %slice3A_23 = vector.extract_strided_slice %add3A_20 {offsets = [0, 0], sizes = [1, 2044], strides = [1, 1]} : vector<1x2048xi32> to vector<1x2044xi32>
    %concatenate3A_24 = tpu.concatenate %broadcast_in_dim3A_22, %slice3A_23 in 1 : vector<1x4xi32>, vector<1x2044xi32> -> vector<1x2048xi32>
    %add3A_25 = arith.addi %add3A_20, %concatenate3A_24 : vector<1x2048xi32>
    %broadcast_in_dim3A_26 = arith.constant 0 : i32
    %broadcast_in_dim3A_27 = vector.broadcast %broadcast_in_dim3A_26 : i32 to vector<1x8xi32>
    %slice3A_28 = vector.extract_strided_slice %add3A_25 {offsets = [0, 0], sizes = [1, 2040], strides = [1, 1]} : vector<1x2048xi32> to vector<1x2040xi32>
    %concatenate3A_29 = tpu.concatenate %broadcast_in_dim3A_27, %slice3A_28 in 1 : vector<1x8xi32>, vector<1x2040xi32> -> vector<1x2048xi32>
    %add3A_30 = arith.addi %add3A_25, %concatenate3A_29 : vector<1x2048xi32>
    %broadcast_in_dim3A_31 = arith.constant 0 : i32
    %broadcast_in_dim3A_32 = vector.broadcast %broadcast_in_dim3A_31 : i32 to vector<1x16xi32>
    %slice3A_33 = vector.extract_strided_slice %add3A_30 {offsets = [0, 0], sizes = [1, 2032], strides = [1, 1]} : vector<1x2048xi32> to vector<1x2032xi32>
    %concatenate3A_34 = tpu.concatenate %broadcast_in_dim3A_32, %slice3A_33 in 1 : vector<1x16xi32>, vector<1x2032xi32> -> vector<1x2048xi32>
    %add3A_35 = arith.addi %add3A_30, %concatenate3A_34 : vector<1x2048xi32>
    %broadcast_in_dim3A_36 = arith.constant 0 : i32
    %broadcast_in_dim3A_37 = vector.broadcast %broadcast_in_dim3A_36 : i32 to vector<1x32xi32>
    %slice3A_38 = vector.extract_strided_slice %add3A_35 {offsets = [0, 0], sizes = [1, 2016], strides = [1, 1]} : vector<1x2048xi32> to vector<1x2016xi32>
    %concatenate3A_39 = tpu.concatenate %broadcast_in_dim3A_37, %slice3A_38 in 1 : vector<1x32xi32>, vector<1x2016xi32> -> vector<1x2048xi32>
    %add3A_40 = arith.addi %add3A_35, %concatenate3A_39 : vector<1x2048xi32>
    %broadcast_in_dim3A_41 = arith.constant 0 : i32
    %broadcast_in_dim3A_42 = vector.broadcast %broadcast_in_dim3A_41 : i32 to vector<1x64xi32>
    %slice3A_43 = vector.extract_strided_slice %add3A_40 {offsets = [0, 0], sizes = [1, 1984], strides = [1, 1]} : vector<1x2048xi32> to vector<1x1984xi32>
    %concatenate3A_44 = tpu.concatenate %broadcast_in_dim3A_42, %slice3A_43 in 1 : vector<1x64xi32>, vector<1x1984xi32> -> vector<1x2048xi32>
    %add3A_45 = arith.addi %add3A_40, %concatenate3A_44 : vector<1x2048xi32>
    %broadcast_in_dim3A_46 = arith.constant 0 : i32
    %broadcast_in_dim3A_47 = vector.broadcast %broadcast_in_dim3A_46 : i32 to vector<1x128xi32>
    %slice3A_48 = vector.extract_strided_slice %add3A_45 {offsets = [0, 0], sizes = [1, 1920], strides = [1, 1]} : vector<1x2048xi32> to vector<1x1920xi32>
    %concatenate3A_49 = tpu.concatenate %broadcast_in_dim3A_47, %slice3A_48 in 1 : vector<1x128xi32>, vector<1x1920xi32> -> vector<1x2048xi32>
    %add3A_50 = arith.addi %add3A_45, %concatenate3A_49 : vector<1x2048xi32>
    %broadcast_in_dim3A_51 = arith.constant 0 : i32
    %broadcast_in_dim3A_52 = vector.broadcast %broadcast_in_dim3A_51 : i32 to vector<1x256xi32>
    %slice3A_53 = vector.extract_strided_slice %add3A_50 {offsets = [0, 0], sizes = [1, 1792], strides = [1, 1]} : vector<1x2048xi32> to vector<1x1792xi32>
    %concatenate3A_54 = tpu.concatenate %broadcast_in_dim3A_52, %slice3A_53 in 1 : vector<1x256xi32>, vector<1x1792xi32> -> vector<1x2048xi32>
    %add3A_55 = arith.addi %add3A_50, %concatenate3A_54 : vector<1x2048xi32>
    %broadcast_in_dim3A_56 = arith.constant 0 : i32
    %broadcast_in_dim3A_57 = vector.broadcast %broadcast_in_dim3A_56 : i32 to vector<1x512xi32>
    %slice3A_58 = vector.extract_strided_slice %add3A_55 {offsets = [0, 0], sizes = [1, 1536], strides = [1, 1]} : vector<1x2048xi32> to vector<1x1536xi32>
    %concatenate3A_59 = tpu.concatenate %broadcast_in_dim3A_57, %slice3A_58 in 1 : vector<1x512xi32>, vector<1x1536xi32> -> vector<1x2048xi32>
    %add3A_60 = arith.addi %add3A_55, %concatenate3A_59 : vector<1x2048xi32>
    %broadcast_in_dim3A_61 = arith.constant 0 : i32
    %broadcast_in_dim3A_62 = vector.broadcast %broadcast_in_dim3A_61 : i32 to vector<1x1024xi32>
    %slice3A_63 = vector.extract_strided_slice %add3A_60 {offsets = [0, 0], sizes = [1, 1024], strides = [1, 1]} : vector<1x2048xi32> to vector<1x1024xi32>
    %concatenate3A_64 = tpu.concatenate %broadcast_in_dim3A_62, %slice3A_63 in 1 : vector<1x1024xi32>, vector<1x1024xi32> -> vector<1x2048xi32>
    %add3A_65 = arith.addi %add3A_60, %concatenate3A_64 : vector<1x2048xi32>
    %convert_element_type3A_66 = arith.extui %and3A_14 : vector<1x2048xi1> to vector<1x2048xi32>
    %broadcast_in_dim3A_67 = arith.constant 0 : i32
    %broadcast_in_dim3A_68 = vector.broadcast %broadcast_in_dim3A_67 : i32 to vector<1x1xi32>
    %slice3A_69 = vector.extract_strided_slice %convert_element_type3A_66 {offsets = [0, 0], sizes = [1, 2047], strides = [1, 1]} : vector<1x2048xi32> to vector<1x2047xi32>
    %concatenate3A_70 = tpu.concatenate %broadcast_in_dim3A_68, %slice3A_69 in 1 : vector<1x1xi32>, vector<1x2047xi32> -> vector<1x2048xi32>
    %add3A_71 = arith.addi %convert_element_type3A_66, %concatenate3A_70 : vector<1x2048xi32>
    %broadcast_in_dim3A_72 = arith.constant 0 : i32
    %broadcast_in_dim3A_73 = vector.broadcast %broadcast_in_dim3A_72 : i32 to vector<1x2xi32>
    %slice3A_74 = vector.extract_strided_slice %add3A_71 {offsets = [0, 0], sizes = [1, 2046], strides = [1, 1]} : vector<1x2048xi32> to vector<1x2046xi32>
    %concatenate3A_75 = tpu.concatenate %broadcast_in_dim3A_73, %slice3A_74 in 1 : vector<1x2xi32>, vector<1x2046xi32> -> vector<1x2048xi32>
    %add3A_76 = arith.addi %add3A_71, %concatenate3A_75 : vector<1x2048xi32>
    %broadcast_in_dim3A_77 = arith.constant 0 : i32
    %broadcast_in_dim3A_78 = vector.broadcast %broadcast_in_dim3A_77 : i32 to vector<1x4xi32>
    %slice3A_79 = vector.extract_strided_slice %add3A_76 {offsets = [0, 0], sizes = [1, 2044], strides = [1, 1]} : vector<1x2048xi32> to vector<1x2044xi32>
    %concatenate3A_80 = tpu.concatenate %broadcast_in_dim3A_78, %slice3A_79 in 1 : vector<1x4xi32>, vector<1x2044xi32> -> vector<1x2048xi32>
    %add3A_81 = arith.addi %add3A_76, %concatenate3A_80 : vector<1x2048xi32>
    %broadcast_in_dim3A_82 = arith.constant 0 : i32
    %broadcast_in_dim3A_83 = vector.broadcast %broadcast_in_dim3A_82 : i32 to vector<1x8xi32>
    %slice3A_84 = vector.extract_strided_slice %add3A_81 {offsets = [0, 0], sizes = [1, 2040], strides = [1, 1]} : vector<1x2048xi32> to vector<1x2040xi32>
    %concatenate3A_85 = tpu.concatenate %broadcast_in_dim3A_83, %slice3A_84 in 1 : vector<1x8xi32>, vector<1x2040xi32> -> vector<1x2048xi32>
    %add3A_86 = arith.addi %add3A_81, %concatenate3A_85 : vector<1x2048xi32>
    %broadcast_in_dim3A_87 = arith.constant 0 : i32
    %broadcast_in_dim3A_88 = vector.broadcast %broadcast_in_dim3A_87 : i32 to vector<1x16xi32>
    %slice3A_89 = vector.extract_strided_slice %add3A_86 {offsets = [0, 0], sizes = [1, 2032], strides = [1, 1]} : vector<1x2048xi32> to vector<1x2032xi32>
    %concatenate3A_90 = tpu.concatenate %broadcast_in_dim3A_88, %slice3A_89 in 1 : vector<1x16xi32>, vector<1x2032xi32> -> vector<1x2048xi32>
    %add3A_91 = arith.addi %add3A_86, %concatenate3A_90 : vector<1x2048xi32>
    %broadcast_in_dim3A_92 = arith.constant 0 : i32
    %broadcast_in_dim3A_93 = vector.broadcast %broadcast_in_dim3A_92 : i32 to vector<1x32xi32>
    %slice3A_94 = vector.extract_strided_slice %add3A_91 {offsets = [0, 0], sizes = [1, 2016], strides = [1, 1]} : vector<1x2048xi32> to vector<1x2016xi32>
    %concatenate3A_95 = tpu.concatenate %broadcast_in_dim3A_93, %slice3A_94 in 1 : vector<1x32xi32>, vector<1x2016xi32> -> vector<1x2048xi32>
    %add3A_96 = arith.addi %add3A_91, %concatenate3A_95 : vector<1x2048xi32>
    %broadcast_in_dim3A_97 = arith.constant 0 : i32
    %broadcast_in_dim3A_98 = vector.broadcast %broadcast_in_dim3A_97 : i32 to vector<1x64xi32>
    %slice3A_99 = vector.extract_strided_slice %add3A_96 {offsets = [0, 0], sizes = [1, 1984], strides = [1, 1]} : vector<1x2048xi32> to vector<1x1984xi32>
    %concatenate3A_100 = tpu.concatenate %broadcast_in_dim3A_98, %slice3A_99 in 1 : vector<1x64xi32>, vector<1x1984xi32> -> vector<1x2048xi32>
    %add3A_101 = arith.addi %add3A_96, %concatenate3A_100 : vector<1x2048xi32>
    %broadcast_in_dim3A_102 = arith.constant 0 : i32
    %broadcast_in_dim3A_103 = vector.broadcast %broadcast_in_dim3A_102 : i32 to vector<1x128xi32>
    %slice3A_104 = vector.extract_strided_slice %add3A_101 {offsets = [0, 0], sizes = [1, 1920], strides = [1, 1]} : vector<1x2048xi32> to vector<1x1920xi32>
    %concatenate3A_105 = tpu.concatenate %broadcast_in_dim3A_103, %slice3A_104 in 1 : vector<1x128xi32>, vector<1x1920xi32> -> vector<1x2048xi32>
    %add3A_106 = arith.addi %add3A_101, %concatenate3A_105 : vector<1x2048xi32>
    %broadcast_in_dim3A_107 = arith.constant 0 : i32
    %broadcast_in_dim3A_108 = vector.broadcast %broadcast_in_dim3A_107 : i32 to vector<1x256xi32>
    %slice3A_109 = vector.extract_strided_slice %add3A_106 {offsets = [0, 0], sizes = [1, 1792], strides = [1, 1]} : vector<1x2048xi32> to vector<1x1792xi32>
    %concatenate3A_110 = tpu.concatenate %broadcast_in_dim3A_108, %slice3A_109 in 1 : vector<1x256xi32>, vector<1x1792xi32> -> vector<1x2048xi32>
    %add3A_111 = arith.addi %add3A_106, %concatenate3A_110 : vector<1x2048xi32>
    %broadcast_in_dim3A_112 = arith.constant 0 : i32
    %broadcast_in_dim3A_113 = vector.broadcast %broadcast_in_dim3A_112 : i32 to vector<1x512xi32>
    %slice3A_114 = vector.extract_strided_slice %add3A_111 {offsets = [0, 0], sizes = [1, 1536], strides = [1, 1]} : vector<1x2048xi32> to vector<1x1536xi32>
    %concatenate3A_115 = tpu.concatenate %broadcast_in_dim3A_113, %slice3A_114 in 1 : vector<1x512xi32>, vector<1x1536xi32> -> vector<1x2048xi32>
    %add3A_116 = arith.addi %add3A_111, %concatenate3A_115 : vector<1x2048xi32>
    %broadcast_in_dim3A_117 = arith.constant 0 : i32
    %broadcast_in_dim3A_118 = vector.broadcast %broadcast_in_dim3A_117 : i32 to vector<1x1024xi32>
    %slice3A_119 = vector.extract_strided_slice %add3A_116 {offsets = [0, 0], sizes = [1, 1024], strides = [1, 1]} : vector<1x2048xi32> to vector<1x1024xi32>
    %concatenate3A_120 = tpu.concatenate %broadcast_in_dim3A_118, %slice3A_119 in 1 : vector<1x1024xi32>, vector<1x1024xi32> -> vector<1x2048xi32>
    %add3A_121 = arith.addi %add3A_116, %concatenate3A_120 : vector<1x2048xi32>
    %iota3A = tpu.iota {dimensions = array<i32: 0>} : vector<16x2048xi32>
    %add3A_122 = arith.constant 1 : i32
    %add3A_123 = vector.broadcast %add3A_122 : i32 to vector<16x2048xi32>
    %add3A_124 = arith.addi %iota3A, %add3A_123 : vector<16x2048xi32>
    %eq3A = vector.broadcast %add3A_65 : vector<1x2048xi32> to vector<16x2048xi32>
    %eq3A_125 = arith.cmpi eq, %eq3A, %add3A_124 : vector<16x2048xi32>
    %eq3A_126 = vector.broadcast %add3A_121 : vector<1x2048xi32> to vector<16x2048xi32>
    %eq3A_127 = arith.cmpi eq, %eq3A_126, %iota3A : vector<16x2048xi32>
    %and3A_128 = arith.andi %eq3A_125, %eq3A_127 : vector<16x2048xi1>
    %not3A = arith.constant dense<true> : vector<1x2048xi1>
    %not3A_129 = arith.xori %and3A, %not3A : vector<1x2048xi1>
    %and3A_130 = vector.broadcast %not3A_129 : vector<1x2048xi1> to vector<16x2048xi1>
    %and3A_131 = arith.andi %and3A_128, %and3A_130 : vector<16x2048xi1>
    %not3A_132 = arith.constant dense<true> : vector<1x2048xi1>
    %not3A_133 = arith.xori %and3A_14, %not3A_132 : vector<1x2048xi1>
    %and3A_134 = vector.broadcast %not3A_133 : vector<1x2048xi1> to vector<16x2048xi1>
    %and3A_135 = arith.andi %and3A_131, %and3A_134 : vector<16x2048xi1>
    %jit3A = arith.constant 1.000000e+00 : f32
    %jit3A_136 = arith.constant 0.000000e+00 : f32
    %broadcast_in_dim3A_137 = vector.broadcast %jit3A : f32 to vector<16x2048xf32>
    %broadcast_in_dim3A_138 = vector.broadcast %jit3A_136 : f32 to vector<16x2048xf32>
    %select_n3A = arith.select %and3A_135, %broadcast_in_dim3A_137, %broadcast_in_dim3A_138 : vector<16x2048xi1>, vector<16x2048xf32>
    %convert_element_type3A_139 = arith.truncf %select_n3A : vector<16x2048xf32> to vector<16x2048xbf16>
    %get3A_140 = arith.constant 0 : index
    %get3A_141 = arith.constant 0 : index
    %get3A_142 = arith.constant 0 : index
    %get3A_143 = vector.load %arg2[%get3A_140, %get3A_141, %get3A_142] : memref<1x2048x768xf32, #tpu.memory_space<vmem>>, vector<1x2048x768xf32>
    %get3A_144 = vector.shape_cast %get3A_143 : vector<1x2048x768xf32> to vector<2048x768xf32>
    %convert_element_type3A_145 = arith.truncf %get3A_144 : vector<2048x768xf32> to vector<2048x768xbf16>
    %dot_general3A = arith.constant dense<0.000000e+00> : vector<16x768xf32>
    %dot_general3A_146 = tpu.matmul %convert_element_type3A_139, %convert_element_type3A_145, %dot_general3A {dimension_numbers = #tpu.dot_dimension_numbers<[1], [0], [0], [1], [0, 0, 1, 1], [], []>, transpose_lhs_hint = false} : vector<16x2048xbf16>, vector<2048x768xbf16>, vector<16x768xf32> -> vector<16x768xf32>
    %reduce_sum3A = arith.constant dense<0.000000e+00> : vector<16xf32>
    %reduce_sum3A_147 = vector.multi_reduction <add>, %select_n3A, %reduce_sum3A [1] : vector<16x2048xf32> to vector<16xf32>
    %broadcast_in_dim3A_148 = vector.shape_cast %reduce_sum3A_147 : vector<16xf32> to vector<16x1xf32>
    %div3A = vector.broadcast %broadcast_in_dim3A_148 : vector<16x1xf32> to vector<16x768xf32>
    %div3A_149 = arith.divf %dot_general3A_146, %div3A : vector<16x768xf32>
    %swap3A = arith.constant 0 : index
    %swap3A_150 = arith.constant 0 : index
    %swap3A_151 = arith.constant 0 : index
    %swap3A_152 = vector.load %arg3[%swap3A, %swap3A_150, %swap3A_151] : memref<1x16x768xf32, #tpu.memory_space<vmem>>, vector<1x16x768xf32>
    %swap3A_153 = vector.shape_cast %swap3A_152 : vector<1x16x768xf32> to vector<16x768xf32>
    %swap3A_154 = vector.shape_cast %div3A_149 : vector<16x768xf32> to vector<1x16x768xf32>
    tpu.vector_store %arg3[%swap3A, %swap3A_150, %swap3A_151], %swap3A_154 {strides = array<i32>} : memref<1x16x768xf32, #tpu.memory_space<vmem>>, vector<1x16x768xf32>,
    return
  }
  func.func @transform_0(%arg0: i32) -> (i32, i32, i32) {
    %c0_i32 = arith.constant 0 : i32
    %c0_i32_0 = arith.constant 0 : i32
    %c0_i32_1 = arith.constant 0 : i32
    return %arg0, %c0_i32, %c0_i32_0 : i32, i32, i32
  }
  func.func @transform_1(%arg0: i32) -> (i32, i32, i32) {
    %c0_i32 = arith.constant 0 : i32
    %c0_i32_0 = arith.constant 0 : i32
    %c0_i32_1 = arith.constant 0 : i32
    return %arg0, %c0_i32, %c0_i32_0 : i32, i32, i32
  }
  func.func @transform_2(%arg0: i32) -> (i32, i32, i32) {
    %c0_i32 = arith.constant 0 : i32
    %c0_i32_0 = arith.constant 0 : i32
    %c0_i32_1 = arith.constant 0 : i32
    return %arg0, %c0_i32, %c0_i32_0 : i32, i32, i32
  }
}

</mosaic_0001>

<sc_bundles>
// kernel: kernel.4.cloned.1.call-start
scs
__scs_entry_jumppad:
0x0: {  	(pc) =	sbr.rel $0x88, $3  }
0x1: {  	(tag) =	ssettag $0x0;
	lr =	simm.s32 $0x1  }
0x2: {  	[smem:$0x3F9F] =	sst lr;
	_ =	strace $0xD0000000  }
0x3: {  	_ = 	snop  }
0x4: {  	_ = 	snop  }
0x5: {  	_ = 	snop  }
0x6: {  	_ = 	snop  }
0x7: {  	_ = 	snop  }
__scs_overlays_trampoline_lowered:
0x8: {  	[smem:$0x3FAE] =	sst s0  }
0x9: {  	[smem:$0x3FAF] =	sst s1  }
0xa: {  	[smem:$0x3FB0] =	sst s2  }
0xb: {  	[smem:$0x3FB1] =	sst s3  }
0xc: {  	[smem:$0x3FB2] =	sst s4  }
0xd: {  	[smem:$0x3FB3] =	sst s5  }
0xe: {  	[smem:$0x3FB4] =	sst s6  }
0xf: {  	[smem:$0x3FB5] =	sst s7  }
0x10: {  	[smem:$0x3FB6] =	sst s8  }
0x11: {  	[smem:$0x3FB7] =	sst s9;
	s0 =	simm.s32 @!p0 $0x0  }
0x12: {  	s1 =	sld [smem:$0x3F9D];
	s0 =	simm.s32 @p0 $0x1  }
0x13: {  	[smem:$0x3FB8] =	sst s0;
	s0 =	simm.s32 @!p1 $0x0  }
0x14: {  	s2 =	sld [smem:$0x3F9C];
	s0 =	simm.s32 @p1 $0x1  }
0x15: {  	[smem:$0x3FB9] =	sst s0;
	s0 =	simm.s32 @!p2 $0x0  }
0x16: {  	s3 =	sld [smem:$0x3FDB];
	s0 =	simm.s32 @p2 $0x1  }
0x17: {  	s4 =	simm.s32 $0x1BF5;
	[smem:$0x3FBB] =	sst s0  }
0x18: {  	s0 =	sld [smem:$0x3F9E];
	_ =	swait.ge [sflag:s4], $0x0  }
0x19: {  	s7 =	sld [smem:$0x3F9F]  }
0x1a: {  	s8 =	sadd.s32 $0xFFFFE003, lr  }
0x1b: {  	s9 =	sadd.s32 $0xFFFFFEF7, lr;
	s5 =	simm.s32 $0xFFFFFFFF;
	p2 =	slt.u32 s8, $0xFFFFF086  }
0x1c: {  	p1 =	slt.u32 s9, $0xF7A;
	s5 =	simm.s32 @!p2 $0x0  }
0x1d: {  	s5 =	simm.s32 @p1 $0x1;
	p0 =	seq.s32 s7, s2  }
0x1e: {  	s7 =	smul.u32 @!p0 $0xF7A, s2;
	p2 =	seq.s32 @!p0 s5, $0x0  }
0x1f: {  	s9 =	smul.u32 $0xF7A, s1;
	s8 =	simm.s32 @!p0 $0x1BF5;
	p2 =	por !p2, p0  }
0x20: {  	[sflag:s8] =	ssyncset.s32 @!p0 $0xFFFFF086;
	s6 =	sadd.s32 @!p0 s3, s7;
	s7 =	simm.s32 @!p0 $0x108  }
0x21: {  	s3 =	sadd.s32 s3, s9;
	s6 =	sadd.s32 @!p0 $0x88, s6;
	s7 =	simm.s32 @p2 $0x1082  }
0x22: {  	[simem:s7], [sflag:s8] =	dma.local @!p0 [hbm:s6], $0xF7A  }
0x23: {  	s9 =	sor.u32 $0xD0000000, s2;
	s6 =	simm.s32 $0x108;
	_ =	swait.ge @!p0 [sflag:s8], $0x0  }
0x24: {  	s3 =	sadd.s32 $0x88, s3;
	s6 =	simm.s32 @!p1 $0x1082;
	[sflag:s4] =	ssyncset.s32 $0xFFFFF086  }
0x25: {  	[simem:s6], [sflag:s4] =	dma.local [hbm:s3], $0xF7A  }
0x26: {  	[smem:$0x3F9F] =	sst s1;
	(tag) =	ssettag s2;
	_ =	strace s9  }
0x27: {  	s1 =	sld [smem:$0x3FAF]  }
0x28: {  	s2 =	sld [smem:$0x3FB0]  }
0x29: {  	s4 =	sld [smem:$0x3FB2]  }
0x2a: {  	p0 =	seq.s32 s5, $0x0;
	s5 =	sld [smem:$0x3FB3]  }
0x2b: {  	s6 =	sld [smem:$0x3FB4]  }
0x2c: {  	s7 =	sld [smem:$0x3FB5]  }
0x2d: {  	s3 =	simm.s32 $0x108;
	s8 =	sld [smem:$0x3FB6]  }
0x2e: {  	s3 =	simm.s32 @!p0 $0x1082;
	s9 =	sld [smem:$0x3FB7]  }
0x2f: {  	lr =	sadd.s32 s0, s3;
	s0 =	sld [smem:$0x3FAE]  }
0x30: {  	s3 =	sld [smem:$0x3FB1]  }
0x31: {  	[smem:$0x3FBA] =	sst s10  }
0x32: {  	s10 =	sld [smem:$0x3FB8];
	_ =	sdelay $0x3  }
0x33: {  	p0 =	seq.s32 s10, $0x1;
	s10 =	sld [smem:$0x3FBA];
	_ =	sdelay $0x3  }
0x34: {  	[smem:$0x3FBA] =	sst s10  }
0x35: {  	s10 =	sld [smem:$0x3FB9];
	_ =	sdelay $0x3  }
0x36: {  	p1 =	seq.s32 s10, $0x1;
	s10 =	sld [smem:$0x3FBA];
	_ =	sdelay $0x3  }
0x37: {  	[smem:$0x3FBA] =	sst s10  }
0x38: {  	s10 =	sld [smem:$0x3FBB]  }
0x39: {  	_ = 	snop;
	(pc) =	sbr.ind lr, $3  }
0x3a: {  	_ = 	snop  }
0x3b: {  	_ = 	snop  }
0x3c: {  	p2 =	seq.s32 s10, $0x1;
	s10 =	sld [smem:$0x3FBA]  }
0x3d: {  	_ =	shalt  }
0x3e: {  	_ =	shalt  }
0x3f: {  	_ =	shalt  }
0x40: {  	_ =	shalt  }
0x41: {  	_ =	shalt  }
0x42: {  	_ =	shalt  }
0x43: {  	_ =	shalt  }
0x44: {  	_ =	shalt  }
0x45: {  	_ =	shalt  }
0x46: {  	_ =	shalt  }
0x47: {  	_ =	shalt  }
0x48: {  	_ =	shalt  }
0x49: {  	_ =	shalt  }
0x4a: {  	_ =	shalt  }
0x4b: {  	_ =	shalt  }
0x4c: {  	_ =	shalt  }
0x4d: {  	_ =	shalt  }
0x4e: {  	_ =	shalt  }
0x4f: {  	_ =	shalt  }
0x50: {  	_ =	shalt  }
0x51: {  	_ =	shalt  }
0x52: {  	_ =	shalt  }
0x53: {  	_ =	shalt  }
0x54: {  	_ =	shalt  }
0x55: {  	_ =	shalt  }
0x56: {  	_ =	shalt  }
0x57: {  	_ =	shalt  }
0x58: {  	_ =	shalt  }
0x59: {  	_ =	shalt  }
0x5a: {  	_ =	shalt  }
0x5b: {  	_ =	shalt  }
0x5c: {  	_ =	shalt  }
0x5d: {  	_ =	shalt  }
0x5e: {  	_ =	shalt  }
0x5f: {  	_ =	shalt  }
0x60: {  	_ =	shalt  }
0x61: {  	_ =	shalt  }
0x62: {  	_ =	shalt  }
0x63: {  	_ =	shalt  }
0x64: {  	_ =	shalt  }
0x65: {  	_ =	shalt  }
0x66: {  	_ =	shalt  }
0x67: {  	_ =	shalt  }
0x68: {  	_ =	shalt  }
0x69: {  	_ =	shalt  }
0x6a: {  	_ =	shalt  }
0x6b: {  	_ =	shalt  }
0x6c: {  	_ =	shalt  }
0x6d: {  	_ =	shalt  }
0x6e: {  	_ =	shalt  }
0x6f: {  	_ =	shalt  }
0x70: {  	_ =	shalt  }
0x71: {  	_ =	shalt  }
0x72: {  	_ =	shalt  }
0x73: {  	_ =	shalt  }
0x74: {  	_ =	shalt  }
0x75: {  	_ =	shalt  }
0x76: {  	_ =	shalt  }
0x77: {  	_ =	shalt  }
0x78: {  	_ =	shalt  }
0x79: {  	_ =	shalt  }
0x7a: {  	_ =	shalt  }
0x7b: {  	_ =	shalt  }
0x7c: {  	_ =	shalt  }
0x7d: {  	_ =	shalt  }
0x7e: {  	_ =	shalt  }
0x7f: {  	_ =	shalt  }
0x80: {  	_ =	shalt  }
0x81: {  	_ =	shalt  }
0x82: {  	_ =	shalt  }
0x83: {  	_ =	shalt  }
0x84: {  	_ =	shalt  }
0x85: {  	_ =	shalt  }
0x86: {  	_ =	shalt  }
0x87: {  	_ =	shalt  }
.Lfunc_end0:
.L_simem_size_0:
called_computation_lowered:
.L_overlay_start_0:
0x88: {  	s0 =	sld [smem:$0x3FD9]  }
0x89: {  	s1 =	sld [smem:$0x3FFE];
	_ =	sdelay $0x3  }
0x8a: {  	s0 =	sadd.s32 s1, s0  }
0x8b: {  	[smem:$0x3FC6] =	sst s0  }
0x8c: {  	_ = 	snop  }
0x8d: {  	s0 =	sld [smem:$0x3FC9]  }
0x8e: {  	s16 =	sld [smem:$0x3FC8];
	(tm) =	ssettm $0x1  }
0x8f: {  	s2 =	sld [smem:$0x3FFB];
	_ =	sdelay $0x3  }
0x90: {  	_ =	strace s2  }
0x91: {  	s2 =	sld [smem:$0x3FFC];
	_ =	sdelay $0x3  }
0x92: {  	_ =	strace s2  }
0x93: {  	s2 =	sld [smem:$0x3FFD];
	_ =	sdelay $0x3  }
0x94: {  	_ =	strace s2  }
0x95: {  	_ =	strace $0x8FFFFFFF  }
0x96: {  	s17 =	sld [smem:$0x3FDB];
	_ =	sdelay $0x1  }
0x97: {  	s3 =	simm.s32 $_scs_section_size  }
0x98: {  	s4 =	simm.s32 $_size__tile_overlayer_lowered;
	s5 =	simm.s32 $_tile_overlayer_lowered  }
0x99: {  	s20 =	simm.s32 $0x1BFF;
	s19 =	sshll.u32 s5, $0x1;
	s2 =	sadd.s32 s3, s17  }
0x9a: {  	s6 =	simm.s32 $0x0;
	s18 =	sshll.u32 s4, $0x1;
	s4 =	sadd.s32 s19, s2  }
0x9b: {  	[timem:s6], [sflag:s20] =	dma.local [hbm:s4], s18  }
0x9c: {  	_ =	swait.ge [sflag:s20], s18  }
0x9d: {  	s3 =	ssub.s32 $0x0, s18;
	[sflag:s20] =	ssyncset.done $0x0  }
0x9e: {  	[sflag:s20] =	ssyncadd.s32 s3;
	_ =	sdelay $0x1  }
0x9f: {  	s21 =	simm.s32 $0x1B8B  }
0xa0: {  	_ =	swait.ge [sflag:s21], $0x1  }
0xa1: {  	[sflag:s21] =	ssyncset.done $0x0  }
0xa2: {  	s23 =	simm.s32 $0x1B8E;
	s22 =	sld [smem:$0x3FFE];
	[sflag:s21] =	ssyncadd.s32 $0xFFFFFFFF  }
0xa3: {  	s24 =	simm.s32 $execute0_lowered;
	[smem:$0x3FD2] =	sst s23  }
0xa4: {  	s4 =	sshll.u32 s24, $0x1;
	_ =	strace $0x80000046;
	[dreg:$0x1] =	wrdreg $0xFFFFFFFF  }
0xa5: {  	s25 =	simm.s32 $_size_execute0_lowered;
	s2 =	sadd.s32 s2, s4;
	[dreg:$0x0] =	wrdreg $0x0  }
0xa6: {  	s4 =	sshll.u32 s25, $0x1;
	[dreg:$0x2] =	wrdreg s2  }
0xa7: {  	[dreg:$0x3] =	wrdreg s4  }
0xa8: {  	[dreg:$0x4] =	wrdreg $0xC0  }
0xa9: {  	_ =	task [dreg:s6], $0x5FFFF  }
0xaa: {  	[dreg:$0x1] =	wrdreg $0xFFFFFFFF  }
0xab: {  	[dreg:$0x0] =	wrdreg $0x60  }
0xac: {  	[dreg:$0x2] =	wrdreg s0  }
0xad: {  	[dreg:$0x3] =	wrdreg s16  }
0xae: {  	[dreg:$0x4] =	wrdreg s22  }
0xaf: {  	[dreg:$0x5] =	wrdreg $0x9  }
0xb0: {  	_ =	task.clear_ibuf [dreg:s6], $0x6FFFF;
	_ =	strace $0x90000046  }
0xb1: {  	s26 =	simm.s32 $0x9;
	_ =	strace $0x80000048  }
0xb2: {  	_ =	swait.ge [sflag:s26], $0x1  }
0xb3: {  	[sflag:s26] =	ssyncadd.s32 $0xFFFFFFFF  }
0xb4: {  	_ =	strace $0x90000048  }
0xb5: {  	_ =	sfence  }
0xb6: {  	s28 =	sld [smem:$0x0];
	_ =	sdelay $0x1  }
0xb7: {  	s29 =	srdreg.scid  }
0xb8: {  	s30 =	sshll.u32 s29, $0xD;
	s31 =	sshrl.u32 s29, $0x2  }
0xb9: {  	s1 =	sand.u32 $0x1, s29;
	s2 =	sand.u32 $0x4000, s30;
	s0 =	sadd.s32 s31, s28  }
0xba: {  	s1 =	sor.u32 s2, s1;
	s0 =	sshll.u32 s0, $0x11  }
0xbb: {  	s0 =	sor.u32 s0, s1  }
0xbc: {  	s0 =	sadd.s32 $0x8F2B, s0  }
0xbd: {  	[sflag:s0] =	ssyncadd.remote.s32 $0x1  }
0xbe: {  	_ =	sfence.sel $0xFFFF  }
0xbf: {  	[dreg:$0x0] =	wrdreg $0xFFFFFFFF;
	(pc) =	sbr.abs _section_cstart, $3  }
0xc0: {  	[dreg:$0x1] =	wrdreg $0xFFFFFFFF  }
0xc1: {  	_ =	task.clear_ibuf [dreg:s6], $0x2FFFF;
	_ =	strace $0x9FFFFFFF  }
0xc2: {  	(tm) =	ssettm $0x7FFFFFFF  }
0xc3: {  	_ =	shalt  }
tec
execute0_lowered:
.L_overlay_start_1:
0x0: {  	(tag) =	ssettag $0x1  }
0x1: {  	v0 =	vimm.s32 $0xEDCBA987;
	v1 =	vimm.s32 $0x65432100;
	v5 =	vimm.s32 $0x54321000  }
0x2: {  	v6 =	vimm.s32 $0xDCBA9876;
	v7 =	vimm.s32 $0xBA987654;
	v8 =	vimm.s32 $0x32100000  }
0x3: {  	s0 =	stileid.u32;
	v9 =	vimm.s32 $0xE40000;
	vm0 =	vmmov $0x3;
	vm1 =	vmmov $0xf  }
0x4: {  	s1 =	simm.s32 $0x1;
	vm2 =	vcmask $0x3F30;
	p0 =	slt.u32 s0, $0x8;
	v2 =	vunpack.c.l.s4.s8 v0;
	v3 =	vunpack.c.l.s4.s8 v1  }
0x5: {  	s2 =	simm.s32 $0x2;
	v5 =	vunpack.c.l.s4.s8 v5;
	v6 =	vunpack.c.l.s4.s8 v6;
	v7 =	vunpack.c.l.s4.s8 v7;
	s1 =	simm.s32 @!p0 $0x3  }
0x6: {  	s4 =	rddreg [dreg:$0x1];
	v8 =	vunpack.c.l.s4.s8 v8;
	v9 =	vunpack.c.l.s2.s4 v9;
	s2 =	simm.s32 @!p0 $0x4;
	v0 =	vmov s1  }
0x7: {  	s6 =	rddreg [dreg:$0x2];
	s5 =	simm.s32 $0x0;
	s31 =	simm.s32 $0x2;
	v4 =	vunpack.c.0.s8.s32 v2;
	v1 =	vmov s2;
	v6 =	vunpack.c.0.s8.s32 v6  }
0x8: {  	s8 =	simm.s32 $0x80;
	s3 =	sand.u32 $0x7, s0;
	[smem:$0x7FF] =	sst s5;
	v3 =	vunpack.c.0.s8.s32 v3;
	v5 =	vunpack.c.0.s8.s32 v5;
	v7 =	vunpack.c.0.s8.s32 v7  }
0x9: {  	s9 =	simm.s32 $0x400;
	s7 =	sshll.u32 s3, $0x4;
	s2 =	rddreg [dreg:$0x0];
	v8 =	vunpack.c.0.s8.s32 v8;
	v9 =	vunpack.c.l.s4.s8 v9;
	v6 =	vand.u32 $0xF, v6  }
0xa: {  	s1 =	rddreg [dreg:$0x3];
	_ =	strace $0x80000047;
	s4 =	sadd.s32 s4, s7;
	v4 =	vand.u32 $0xF, v4;
	v5 =	vcombine.low v5, v6;
	v6 =	vand.u32 $0xF, v7  }
0xb: {  	[tilespmem:s5], [sflag:$0x2] =	stream.strided.gather [hbm4b:s4+s8], $0x800, s9, s8, $0x38;
	v9 =	vunpack.c.0.s8.s32 v9;
	v6 =	vcombine.low v8, v6;
	v8 =	vimm.s32 $0x7060504;
	[tilespmem:$0x3900] =	vst v63  }
0xc: {  	v2 =	vimm.s32 $0x0;
	_ =	swait.ge [sflag:s31], $0x800;
	v3 =	vcombine.low v3, v4;
	v8 =	vunpack.c.0.s8.s32 v8  }
0xd: {  	s7 =	simm.s32 $0x3880;
	s4 =	sadd.s32 $0x600, s6;
	v4 =	vimm.f32 $0.0e+00;
	v7 =	vlaneseq.u32;
	[sflag:s31] =	ssyncset.done $0x0;
	v9 =	vand.u32 $0x3, v9  }
0xe: {  	s6 =	sshll.u32 s3, $0xB;
	s8 =	simm.s32 $0x800;
	[sflag:s31] =	ssyncadd.s32 $0xFFFFF800;
	v8 =	vsel vm2, v8, v9;
	vm2 =	vmmov $0xff;
	v9 =	vimm.s32 $0x0  }
.LBB2_1:
0xf: {  	s9 =	sshra.s32 s5, $0x2  }
0x10: {  	v10 =	vld [tilespmem:s9+$0x0];
	_ =	sdelay $0x4  }
0x11: {  	vm3 =	vge.s32 v10, v0;
	vm4 =	vle.s32 v10, v1  }
0x12: {  	vm3 =	vmand vm3, vm4  }
0x13: {  	v10 =	vsel vm3, $0x3F800000, v4  }
0x14: {  	(xrf0) =	vmax.scan.msk.f32 $0xffff, v10;
	_ =	sdelay $0x5  }
0x15: {  	v10, _, _ =	vpop (xrf0)  }
0x16: {  	(v2sf) =	vpush v10, $0xF;
	_ =	sdelay $0xe  }
0x17: {  	s31 =	spop (v2sf)  }
0x18: {  	p1 =	sgt.f32 s31, $0.0e+00;
	_ =	sdelay $0x1  }
0x19: {  	v10 =	vsel @p1 vm3, $0x1, v2  }
0x1a: {  	[tilespmem:$0x3880] =	vst @p1 v10  }
0x1b: {  	v11 =	vld.idx.msk @p1 [tilespmem:v3+s7+$0x0], $0xffff;
	_ =	sdelay $0x3  }
0x1c: {  	vm4 =	veq.s32 @p1 v7, $0x0  }
0x1d: {  	v11 =	vsel @p1 vm4, $0x0, v11  }
0x1e: {  	v10 =	vadd.s32 @p1 v10, v11  }
0x1f: {  	[tilespmem:$0x3880] =	vst @p1 v10  }
0x20: {  	v11 =	vld.idx.msk @p1 [tilespmem:v5+s7+$0x0], $0xffff;
	_ =	sdelay $0x4  }
0x21: {  	v11 =	vsel @p1 vm0, $0x0, v11  }
0x22: {  	v10 =	vadd.s32 @p1 v10, v11  }
0x23: {  	[tilespmem:$0x3880] =	vst @p1 v10  }
0x24: {  	v11 =	vld.idx.msk @p1 [tilespmem:v6+s7+$0x0], $0xffff;
	_ =	sdelay $0x4  }
0x25: {  	v11 =	vsel @p1 vm1, $0x0, v11  }
0x26: {  	v10 =	vadd.s32 @p1 v10, v11  }
0x27: {  	[tilespmem:$0x3880] =	vst @p1 v10  }
0x28: {  	v11 =	vld.idx.msk @p1 [tilespmem:v8+s7+$0x0], $0xffff;
	_ =	sdelay $0x4  }
0x29: {  	v10 =	vadd.s32 @p1 v10, v9;
	v11 =	vsel @p1 vm2, $0x0, v11  }
0x2a: {  	v10 =	vadd.s32 @p1 v11, v10  }
0x2b: {  	v10 =	vadd.s32 @p1 $0xFFFFFFFF, v10  }
0x2c: {  	vm4 =	vgt.s32 @p1 v10, $0x0  }
0x2d: {  	v10 =	vnsel @p1 vm4, $0x0, v10  }
0x2e: {  	v10 =	vmin.u32 @p1 v10, $0xF;
	_ =	sdelay $0x2  }
0x2f: {  	v11 =	vmpcnt.ones.xlane @p1 vm3  }
0x30: {  	s5 =	sadd.s32 $0x40, s5;
	v12 =	vor.u32 @p1 s6, v7  }
0x31: {  	v9 =	vadd.s32 @p1 v9, v11;
	[tilespmem:v10+s8+$0x0] =	vst.idx.msk @p1 vm3, v12;
	p1 =	sne.s32 s5, $0x2000  }
.Ltmp0:
0x32: {  	_ = 	snop;
	(pc) =	sbr.rel @p1 .LBB2_1-.Ltmp0, $2  }
0x33: {  	_ =	sdelay $0x2  }
0x34: {  	s6 =	sadd.s32 $0x10, s6  }
0x35: {  	v0 =	vld [tilespmem:$0x800];
	_ =	sdelay $0x4  }
0x36: {  	v1 =	vshrl.u32 v0, $0x3  }
0x37: {  	v1 =	vmul.u32 $0x30, v1  }
0x38: {  	v2 =	vlaneseq.u32;
	v0 =	vand.u32 $0x7, v0  }
0x39: {  	v63 =	vand.u32 $0x7, v2;
	v3 =	vshrl.u32 v2, $0x3;
	v0 =	vor.u32 v0, v1  }
0x3a: {  	v3 =	vmul.u32 $0x8, v3;
	v1 =	vperm.xlane v0, v63;
	_ =	sdelay $0x1  }
0x3b: {  	v1 =	vadd.s32 v3, v1;
	_ =	sdelay $0x2  }
0x3c: {  	v2 =	vor.u32 $0x8, v2  }
0x3d: {  	vm0 =	vmmov $0xffff;
	s5 =	simm.s32 $0x0;
	s6 =	simm.s32 $0x880;
	v0 =	vperm.xlane v0, v2  }
0x3e: {  	[tilespmem:s6], [sflag:$0x1] =	stream.indirect_vreg.gather [hbm4b:s2+s5], $0x80, v1, vm0, $0xb8;
	[tilespmem:$0x3900] =	vst v63  }
0x3f: {  	s7 =	sadd.s32 $0x100, s2;
	s8 =	simm.s32 $0x1080;
	v0 =	vadd.s32 v3, v0  }
0x40: {  	[tilespmem:s8], [sflag:$0x1] =	stream.indirect_vreg.gather [hbm4b:s7+s5], $0x80, v1, vm0, $0xb8;
	[tilespmem:$0x3900] =	vst v63  }
0x41: {  	s22 =	sadd.s32 $0x200, s2;
	s9 =	simm.s32 $0x1880  }
0x42: {  	[tilespmem:s9], [sflag:$0x1] =	stream.indirect_vreg.gather [hbm4b:s22+s5], $0x80, v1, vm0, $0xb8;
	[tilespmem:$0x3900] =	vst v63  }
0x43: {  	s23 =	simm.s32 $0x2080  }
0x44: {  	[tilespmem:s23], [sflag:$0x1] =	stream.indirect_vreg.gather [hbm4b:s2+s5], $0x80, v0, vm0, $0xb8;
	[tilespmem:$0x3900] =	vst v63  }
0x45: {  	s24 =	simm.s32 $0x2880  }
0x46: {  	[tilespmem:s24], [sflag:$0x1] =	stream.indirect_vreg.gather [hbm4b:s7+s5], $0x80, v0, vm0, $0xb8;
	[tilespmem:$0x3900] =	vst v63  }
0x47: {  	s25 =	simm.s32 $0x3080;
	s26 =	simm.s32 $0x1;
	s3 =	smul.u32 $0xC00, s3  }
0x48: {  	[tilespmem:s25], [sflag:$0x1] =	stream.indirect_vreg.gather [hbm4b:s22+s5], $0x80, v0, vm0, $0xb8;
	[tilespmem:$0x3900] =	vst v63  }
0x49: {  	s29 =	simm.s32 $0x1800;
	s5 =	sadd.s32 $0x300, s4;
	_ =	swait.ge [sflag:s26], $0x3000  }
0x4a: {  	s30 =	simm.s32 $0x3000;
	s5 =	smov.u32 @p0 s4;
	[sflag:s26] =	ssyncset.done $0x0  }
0x4b: {  	s31 =	simm.s32 $0x2;
	s28 =	sadd.s32 s5, s3;
	[sflag:s26] =	ssyncadd.s32 $0xFFFFD000  }
0x4c: {  	[hbm4b:s28+s29] =	stream.strided.scatter [tilespmem:s6], [sflag:$0x2], $0x3000, s30, s29, $0x38;
	[tilespmem:$0x3900] =	vst v63  }
0x4d: {  	_ =	swait.ge [sflag:s31], $0x3000  }
0x4e: {  	[sflag:s31] =	ssyncset.done $0x0  }
0x4f: {  	[sflag:s31] =	ssyncadd.s32 $0xFFFFD000  }
0x50: {  	_ =	sfence.sel $0x180000  }
0x51: {  	[bflag:$0x0] =	sbarrier.arrive $0xFFFF  }
0x52: {  	p0 =	sne.s32 s0, $0x0;
	_ =	strace $0x90000047  }
0x53: {  	s0 =	sadd.s32 @!p0 $0x100000, s1;
	[bflag:$0x2] =	sbarrier.arrive $0xFFFF  }
0x54: {  	[sflag:s0] =	ssyncadd.tile.s32 @!p0 $0x1;
	_ =	shalt  }
.Lfunc_end2:
_tile_overlayer_lowered:
.L_overlay_start_2:
0x55: {  	(tag) =	ssettag $0x2  }
0x56: {  	s0 =	rddreg [dreg:$0x0];
	s2 =	stileid.u32  }
0x57: {  	s1 =	rddreg [dreg:$0x1];
	p0 =	sne.s32 s2, $0x0  }
0x58: {  	s3 =	rddreg [dreg:$0x2];
	[bflag:$0x3] =	sbarrier.arrive $0xFFFF;
	s2 =	simm.s32 @!p0 $0x1C02  }
0x59: {  	[timem:s3], [sflag:s2] =	dma.local @!p0 [hbm:s0], s1  }
0x5a: {  	s0 =	simm.s32 @!p0 $0x2  }
0x5b: {  	_ =	swait.ge @!p0 [sflag:s0], s1  }
0x5c: {  	s1 =	ssub.s32 @!p0 $0x0, s1;
	[sflag:s0] =	ssyncset.done @!p0 $0x0  }
0x5d: {  	[sflag:s0] =	ssyncadd.s32 @!p0 s1  }
0x5e: {  	[bflag:$0x3] =	sbarrier.arrive $0xFFFF  }
0x5f: {  	_ =	shalt  }

</sc_bundles>
